<compile_context>
chip_gen: v7x
topology: tpu7x:2x2x1
jax: 0.10.2.dev20260603
libtpu: 0.0.44.dev20260713+nightly
codegen_flags: <defaults>
</compile_context>

<pallas_src>
import functools

import jax
import jax.numpy as jnp
from jax import lax
from jax.experimental import pallas as pl
from jax.experimental.pallas import tpu as pltpu
from jax.experimental.pallas import tpu_sc as plsc

B = 4096
L = 200
NC, NS = 2, 16
NW = NC * NS
BPW = B // NW


def _sc_compact(cont_hbm, cat_hbm, outc_hbm, outk_hbm, cv, kv):
    wid = lax.axis_index("s") * NC + lax.axis_index("c")
    base = wid * BPW
    pltpu.sync_copy(cont_hbm.at[pl.ds(base, BPW), :], cv)
    pltpu.sync_copy(cv, outc_hbm.at[pl.ds(base, BPW), :])
    pltpu.sync_copy(cat_hbm.at[pl.ds(base, BPW), :], kv)
    pltpu.sync_copy(kv, outk_hbm.at[pl.ds(base, BPW), :])


def _sc_slice(cont_x, cat_x):
    mesh = plsc.VectorSubcoreMesh(core_axis_name="c", subcore_axis_name="s")
    fn = functools.partial(
        pl.kernel, _sc_compact, mesh=mesh,
        out_type=[jax.ShapeDtypeStruct((B, 5), jnp.float32),
                  jax.ShapeDtypeStruct((B, 7), jnp.int32)],
        scratch_types=[pltpu.VMEM((BPW, 5), jnp.float32),
                       pltpu.VMEM((BPW, 7), jnp.int32)],
    )()
    return fn(cont_x, cat_x)


def _mlp_kernel(cont_ref, cat_ref, e0_ref, e1_ref, wc_ref, bc_ref, w1_ref,
                b1_ref, w2_ref, b2_ref, out_ref):
    f32 = jnp.float32
    cx = cont_ref[...]
    idx = cat_ref[...].astype(f32)

    cont = jnp.maximum(
        jnp.dot(cx, wc_ref[...], preferred_element_type=f32) + bc_ref[...],
        0.0)

    diff = e1_ref[...] - e0_ref[...]
    base = jnp.sum(e0_ref[...], axis=0, keepdims=True)
    catm = (base + jnp.dot(idx, diff, preferred_element_type=f32)) * f32(1 / 7)

    w1t = w1_ref[...]
    h = jnp.dot(catm, w1t[:64, :], preferred_element_type=f32)
    h = h + jnp.dot(cont, w1t[64:, :], preferred_element_type=f32)
    h = jnp.maximum(h + b1_ref[...], 0.0)

    out = jnp.dot(h, w2_ref[...], preferred_element_type=f32) + b2_ref[...]
    out_ref[...] = jnp.maximum(out, 0.0)


def kernel(cont_x, cat_x, len, emb_gender, emb_korean, emb_primary, emb_job,
           emb_place, emb_add, emb_rep, W_cont, b_cont, W1, b1, W2, b2):
    f32 = jnp.float32

    embs = [emb_gender, emb_korean, emb_primary, emb_job, emb_place, emb_add,
            emb_rep]
    E0 = jnp.stack([e[0] for e in embs])
    E1 = jnp.stack([e[1] for e in embs])

    cx0, cat0 = _sc_slice(cont_x[:, 0, :], cat_x[:, 0, :])

    out = pl.pallas_call(
        _mlp_kernel,
        out_shape=jax.ShapeDtypeStruct((B, 2), f32),
    )(cx0, cat0, E0, E1, W_cont.T, b_cont.reshape(1, 64), W1.T,
      b1.reshape(1, 64), W2.T, b2.reshape(1, 2))
    return out

# --- scband reference (transcript-rebuilt; emitter-appended) ---
"""Pipeline reference for scband-mlpregressor-76072460746998 (READ-ONLY COPY).

The authoritative reference and input builder live on the scoring server;
editing this copy changes nothing except your own understanding.
"""

import jax, jax.numpy as jnp
import numpy as np

B, L, H = 4096, 200, 64


def setup_inputs(seed: int = 0) -> dict:
    key = jax.random.key(seed)
    ks = jax.random.split(key, 16)
    inp = {}
    inp["cont_x"] = jax.random.normal(ks[0], (B, L, 5), dtype=jnp.float32)
    inp["cat_x"] = jax.random.randint(ks[1], (B, L, 7), 0, 2).astype(jnp.int32)
    inp["len"] = jnp.ones((B,), dtype=jnp.int32)
    # embedding tables (vocab sizes from the torch module)
    inp["emb_gender"] = jax.random.normal(ks[2], (2, H), dtype=jnp.float32) * 0.05
    inp["emb_korean"] = jax.random.normal(ks[3], (2, H), dtype=jnp.float32) * 0.05
    inp["emb_primary"] = jax.random.normal(ks[4], (2, H), dtype=jnp.float32) * 0.05
    inp["emb_job"] = jax.random.normal(ks[5], (11, H), dtype=jnp.float32) * 0.05
    inp["emb_place"] = jax.random.normal(ks[6], (19, H), dtype=jnp.float32) * 0.05
    inp["emb_add"] = jax.random.normal(ks[7], (31, H), dtype=jnp.float32) * 0.05
    inp["emb_rep"] = jax.random.normal(ks[8], (34, H), dtype=jnp.float32) * 0.05
    # cont_NN: Linear(5, 64)
    inp["W_cont"] = jax.random.normal(ks[9], (64, 5), dtype=jnp.float32) * 0.05
    inp["b_cont"] = jnp.zeros((64,), dtype=jnp.float32)
    # fc1: Linear(input_size=128, hidden_size=64)
    inp["W1"] = jax.random.normal(ks[10], (64, 128), dtype=jnp.float32) * 0.05
    inp["b1"] = jnp.zeros((64,), dtype=jnp.float32)
    # fc2: Linear(64, 2)
    inp["W2"] = jax.random.normal(ks[11], (2, 64), dtype=jnp.float32) * 0.05
    inp["b2"] = jnp.zeros((2,), dtype=jnp.float32)
    return inp


def reference(cont_x, cat_x, len, emb_gender, emb_korean, emb_primary, emb_job,
              emb_place, emb_add, emb_rep, W_cont, b_cont, W1, b1, W2, b2):
    idx = cat_x.astype(jnp.int32)
    a1 = jnp.take(emb_gender, idx[:, :, 0], axis=0)
    a2 = jnp.take(emb_korean, idx[:, :, 1], axis=0)
    a3 = jnp.take(emb_primary, idx[:, :, 2], axis=0)
    a4 = jnp.take(emb_job, idx[:, :, 3], axis=0)
    a5 = jnp.take(emb_place, idx[:, :, 4], axis=0)
    a6 = jnp.take(emb_add, idx[:, :, 5], axis=0)
    a7 = jnp.take(emb_rep, idx[:, :, 6], axis=0)
    cat_embs = jnp.mean(jnp.stack([a1, a2, a3, a4, a5, a6, a7], axis=0), axis=0)
    cont = jax.nn.relu(jnp.einsum('blf,hf->blh', cont_x, W_cont) + b_cont)
    x = jnp.concatenate([cat_embs, cont], axis=2)
    # per-sample mean over the first len[i] timesteps (vectorized form of the loop)
    seq = len.astype(jnp.int32)
    mask = (jnp.arange(x.shape[1])[None, :] < seq[:, None]).astype(x.dtype)
    pooled = (x * mask[:, :, None]).sum(axis=1) / jnp.maximum(seq, 1).astype(x.dtype)[:, None]
    h = jax.nn.relu(pooled @ W1.T + b1)
    out = jax.nn.relu(h @ W2.T + b2)
    # dropout with p=0.0 is identity
    return out

if __name__ == "__main__":
    import jax
    _d = setup_inputs()
    print(jax.jit(kernel)(*tuple(_d.values())))

</pallas_src>

<mosaic_0001>
#map = affine_map<(d0, d1) -> (0, 0)>
module attributes {stable_mosaic.version = 14 : i64} {
  func.func @_sc_compact(%arg0: i32, %arg1: i32, %arg2: memref<4096x5xf32, #tpu.memory_space<hbm>>, %arg3: memref<4096x7xi32, #tpu.memory_space<hbm>>, %arg4: memref<4096x5xf32, #tpu.memory_space<hbm>>, %arg5: memref<4096x7xi32, #tpu.memory_space<hbm>>, %arg6: memref<128x5xf32, #tpu.memory_space<vmem>>, %arg7: memref<128x7xi32, #tpu.memory_space<vmem>>) attributes {dimension_semantics = [#tpu.dimension_semantics<core_parallel>, #tpu.dimension_semantics<subcore_parallel>], iteration_bounds = array<i64: 2, 16>, scalar_prefetch = 0 : i64, scratch_operands = 2 : i64, tpu.core_type = #tpu.core_type<sc_vector_subcore>, window_params = [{transform_indices = #map}, {transform_indices = #map}, {transform_indices = #map}, {transform_indices = #map}]} {
    %mul3A = arith.constant 2 : i32
    %mul3A_0 = arith.muli %arg1, %mul3A : i32
    %add3A = arith.addi %mul3A_0, %arg0 : i32
    %mul3A_1 = arith.constant 128 : i32
    %mul3A_2 = arith.muli %add3A, %mul3A_1 : i32
    "tpu.region"() ({
      %run_scoped3A = tpu.sem_alloc : memref<!tpu.dma_semaphore, #tpu.memory_space<semaphore_mem>>
      %dma_start3A = arith.constant 0 : i32
      %dma_start3A_3 = tpu.memref_slice %arg2[%mul3A_2, %dma_start3A] : memref<4096x5xf32, #tpu.memory_space<hbm>> -> memref<128x5xf32, #tpu.memory_space<hbm>>
      %dma_start3A_4 = arith.constant 0 : i32
      %dma_start3A_5 = tpu.memref_slice %arg2[%mul3A_2, %dma_start3A_4] : memref<4096x5xf32, #tpu.memory_space<hbm>> -> memref<128x5xf32, #tpu.memory_space<hbm>>
      tpu.enqueue_dma source(%dma_start3A_5 : memref<128x5xf32, #tpu.memory_space<hbm>>) target(%arg6 : memref<128x5xf32, #tpu.memory_space<vmem>>) target_semaphore(%run_scoped3A : memref<!tpu.dma_semaphore, #tpu.memory_space<semaphore_mem>>)
      %dma_wait3A = arith.constant 0 : i32
      %dma_wait3A_6 = tpu.memref_slice %arg2[%mul3A_2, %dma_wait3A] : memref<4096x5xf32, #tpu.memory_space<hbm>> -> memref<128x5xf32, #tpu.memory_space<hbm>>
      %dma_wait3A_7 = arith.constant 0 : i32
      %dma_wait3A_8 = tpu.memref_slice %arg2[%mul3A_2, %dma_wait3A_7] : memref<4096x5xf32, #tpu.memory_space<hbm>> -> memref<128x5xf32, #tpu.memory_space<hbm>>
      tpu.wait_dma2 semaphore(%run_scoped3A : memref<!tpu.dma_semaphore, #tpu.memory_space<semaphore_mem>>) src(%dma_wait3A_8 : memref<128x5xf32, #tpu.memory_space<hbm>>) dst(%arg6 : memref<128x5xf32, #tpu.memory_space<vmem>>)
      tpu.yield
    }) : () -> ()
    "tpu.region"() ({
      %run_scoped3A = tpu.sem_alloc : memref<!tpu.dma_semaphore, #tpu.memory_space<semaphore_mem>>
      %dma_start3A = arith.constant 0 : i32
      %dma_start3A_3 = tpu.memref_slice %arg4[%mul3A_2, %dma_start3A] : memref<4096x5xf32, #tpu.memory_space<hbm>> -> memref<128x5xf32, #tpu.memory_space<hbm>>
      %dma_start3A_4 = arith.constant 0 : i32
      %dma_start3A_5 = tpu.memref_slice %arg4[%mul3A_2, %dma_start3A_4] : memref<4096x5xf32, #tpu.memory_space<hbm>> -> memref<128x5xf32, #tpu.memory_space<hbm>>
      tpu.enqueue_dma source(%arg6 : memref<128x5xf32, #tpu.memory_space<vmem>>) target(%dma_start3A_5 : memref<128x5xf32, #tpu.memory_space<hbm>>) target_semaphore(%run_scoped3A : memref<!tpu.dma_semaphore, #tpu.memory_space<semaphore_mem>>)
      %dma_wait3A = arith.constant 0 : i32
      %dma_wait3A_6 = tpu.memref_slice %arg4[%mul3A_2, %dma_wait3A] : memref<4096x5xf32, #tpu.memory_space<hbm>> -> memref<128x5xf32, #tpu.memory_space<hbm>>
      %dma_wait3A_7 = arith.constant 0 : i32
      %dma_wait3A_8 = tpu.memref_slice %arg4[%mul3A_2, %dma_wait3A_7] : memref<4096x5xf32, #tpu.memory_space<hbm>> -> memref<128x5xf32, #tpu.memory_space<hbm>>
      tpu.wait_dma2 semaphore(%run_scoped3A : memref<!tpu.dma_semaphore, #tpu.memory_space<semaphore_mem>>) src(%arg6 : memref<128x5xf32, #tpu.memory_space<vmem>>) dst(%dma_wait3A_8 : memref<128x5xf32, #tpu.memory_space<hbm>>)
      tpu.yield
    }) : () -> ()
    "tpu.region"() ({
      %run_scoped3A = tpu.sem_alloc : memref<!tpu.dma_semaphore, #tpu.memory_space<semaphore_mem>>
      %dma_start3A = arith.constant 0 : i32
      %dma_start3A_3 = tpu.memref_slice %arg3[%mul3A_2, %dma_start3A] : memref<4096x7xi32, #tpu.memory_space<hbm>> -> memref<128x7xi32, #tpu.memory_space<hbm>>
      %dma_start3A_4 = arith.constant 0 : i32
      %dma_start3A_5 = tpu.memref_slice %arg3[%mul3A_2, %dma_start3A_4] : memref<4096x7xi32, #tpu.memory_space<hbm>> -> memref<128x7xi32, #tpu.memory_space<hbm>>
      tpu.enqueue_dma source(%dma_start3A_5 : memref<128x7xi32, #tpu.memory_space<hbm>>) target(%arg7 : memref<128x7xi32, #tpu.memory_space<vmem>>) target_semaphore(%run_scoped3A : memref<!tpu.dma_semaphore, #tpu.memory_space<semaphore_mem>>)
      %dma_wait3A = arith.constant 0 : i32
      %dma_wait3A_6 = tpu.memref_slice %arg3[%mul3A_2, %dma_wait3A] : memref<4096x7xi32, #tpu.memory_space<hbm>> -> memref<128x7xi32, #tpu.memory_space<hbm>>
      %dma_wait3A_7 = arith.constant 0 : i32
      %dma_wait3A_8 = tpu.memref_slice %arg3[%mul3A_2, %dma_wait3A_7] : memref<4096x7xi32, #tpu.memory_space<hbm>> -> memref<128x7xi32, #tpu.memory_space<hbm>>
      tpu.wait_dma2 semaphore(%run_scoped3A : memref<!tpu.dma_semaphore, #tpu.memory_space<semaphore_mem>>) src(%dma_wait3A_8 : memref<128x7xi32, #tpu.memory_space<hbm>>) dst(%arg7 : memref<128x7xi32, #tpu.memory_space<vmem>>)
      tpu.yield
    }) : () -> ()
    "tpu.region"() ({
      %run_scoped3A = tpu.sem_alloc : memref<!tpu.dma_semaphore, #tpu.memory_space<semaphore_mem>>
      %dma_start3A = arith.constant 0 : i32
      %dma_start3A_3 = tpu.memref_slice %arg5[%mul3A_2, %dma_start3A] : memref<4096x7xi32, #tpu.memory_space<hbm>> -> memref<128x7xi32, #tpu.memory_space<hbm>>
      %dma_start3A_4 = arith.constant 0 : i32
      %dma_start3A_5 = tpu.memref_slice %arg5[%mul3A_2, %dma_start3A_4] : memref<4096x7xi32, #tpu.memory_space<hbm>> -> memref<128x7xi32, #tpu.memory_space<hbm>>
      tpu.enqueue_dma source(%arg7 : memref<128x7xi32, #tpu.memory_space<vmem>>) target(%dma_start3A_5 : memref<128x7xi32, #tpu.memory_space<hbm>>) target_semaphore(%run_scoped3A : memref<!tpu.dma_semaphore, #tpu.memory_space<semaphore_mem>>)
      %dma_wait3A = arith.constant 0 : i32
      %dma_wait3A_6 = tpu.memref_slice %arg5[%mul3A_2, %dma_wait3A] : memref<4096x7xi32, #tpu.memory_space<hbm>> -> memref<128x7xi32, #tpu.memory_space<hbm>>
      %dma_wait3A_7 = arith.constant 0 : i32
      %dma_wait3A_8 = tpu.memref_slice %arg5[%mul3A_2, %dma_wait3A_7] : memref<4096x7xi32, #tpu.memory_space<hbm>> -> memref<128x7xi32, #tpu.memory_space<hbm>>
      tpu.wait_dma2 semaphore(%run_scoped3A : memref<!tpu.dma_semaphore, #tpu.memory_space<semaphore_mem>>) src(%arg7 : memref<128x7xi32, #tpu.memory_space<vmem>>) dst(%dma_wait3A_8 : memref<128x7xi32, #tpu.memory_space<hbm>>)
      tpu.yield
    }) : () -> ()
    return
  }
}

module attributes {stable_mosaic.version = 14 : i64} {
  func.func @_mlp_kernel(%arg0: memref<4096x5xf32, #tpu.memory_space<vmem>>, %arg1: memref<4096x7xi32, #tpu.memory_space<vmem>>, %arg2: memref<7x64xf32, #tpu.memory_space<vmem>>, %arg3: memref<7x64xf32, #tpu.memory_space<vmem>>, %arg4: memref<5x64xf32, #tpu.memory_space<vmem>>, %arg5: memref<1x64xf32, #tpu.memory_space<vmem>>, %arg6: memref<128x64xf32, #tpu.memory_space<vmem>>, %arg7: memref<1x64xf32, #tpu.memory_space<vmem>>, %arg8: memref<64x2xf32, #tpu.memory_space<vmem>>, %arg9: memref<1x2xf32, #tpu.memory_space<vmem>>, %arg10: memref<4096x2xf32, #tpu.memory_space<vmem>>) attributes {dimension_semantics = [], scalar_prefetch = 0 : i64, scratch_operands = 0 : i64, tpu.core_type = #tpu.core_type<tc>} {
    %get3A = arith.constant 0 : index
    %get3A_0 = arith.constant 0 : index
    %get3A_1 = vector.load %arg0[%get3A, %get3A_0] : memref<4096x5xf32, #tpu.memory_space<vmem>>, vector<4096x5xf32>
    %get3A_2 = arith.constant 0 : index
    %get3A_3 = arith.constant 0 : index
    %get3A_4 = vector.load %arg1[%get3A_2, %get3A_3] : memref<4096x7xi32, #tpu.memory_space<vmem>>, vector<4096x7xi32>
    %convert_element_type3A = arith.sitofp %get3A_4 : vector<4096x7xi32> to vector<4096x7xf32>
    %get3A_5 = arith.constant 0 : index
    %get3A_6 = arith.constant 0 : index
    %get3A_7 = vector.load %arg4[%get3A_5, %get3A_6] : memref<5x64xf32, #tpu.memory_space<vmem>>, vector<5x64xf32>
    %dot_general3A = arith.constant dense<0.000000e+00> : vector<4096x64xf32>
    %dot_general3A_8 = tpu.matmul %get3A_1, %get3A_7, %dot_general3A {dimension_numbers = #tpu.dot_dimension_numbers<[1], [0], [0], [1], [0, 0, 1, 1], [], []>, transpose_lhs_hint = false} : vector<4096x5xf32>, vector<5x64xf32>, vector<4096x64xf32> -> vector<4096x64xf32>
    %get3A_9 = arith.constant 0 : index
    %get3A_10 = arith.constant 0 : index
    %get3A_11 = vector.load %arg5[%get3A_9, %get3A_10] : memref<1x64xf32, #tpu.memory_space<vmem>>, vector<1x64xf32>
    %add3A = vector.broadcast %get3A_11 : vector<1x64xf32> to vector<4096x64xf32>
    %add3A_12 = arith.addf %dot_general3A_8, %add3A : vector<4096x64xf32>
    %max3A = arith.constant 0.000000e+00 : f32
    %max3A_13 = vector.broadcast %max3A : f32 to vector<4096x64xf32>
    %max3A_14 = arith.maximumf %add3A_12, %max3A_13 : vector<4096x64xf32>
    %get3A_15 = arith.constant 0 : index
    %get3A_16 = arith.constant 0 : index
    %get3A_17 = vector.load %arg3[%get3A_15, %get3A_16] : memref<7x64xf32, #tpu.memory_space<vmem>>, vector<7x64xf32>
    %get3A_18 = arith.constant 0 : index
    %get3A_19 = arith.constant 0 : index
    %get3A_20 = vector.load %arg2[%get3A_18, %get3A_19] : memref<7x64xf32, #tpu.memory_space<vmem>>, vector<7x64xf32>
    %sub3A = arith.subf %get3A_17, %get3A_20 : vector<7x64xf32>
    %get3A_21 = arith.constant 0 : index
    %get3A_22 = arith.constant 0 : index
    %get3A_23 = vector.load %arg2[%get3A_21, %get3A_22] : memref<7x64xf32, #tpu.memory_space<vmem>>, vector<7x64xf32>
    %reduce_sum3A = arith.constant dense<0.000000e+00> : vector<64xf32>
    %reduce_sum3A_24 = vector.multi_reduction <add>, %get3A_23, %reduce_sum3A [0] : vector<7x64xf32> to vector<64xf32>
    %broadcast_in_dim3A = vector.shape_cast %reduce_sum3A_24 : vector<64xf32> to vector<1x64xf32>
    %dot_general3A_25 = arith.constant dense<0.000000e+00> : vector<4096x64xf32>
    %dot_general3A_26 = tpu.matmul %convert_element_type3A, %sub3A, %dot_general3A_25 {dimension_numbers = #tpu.dot_dimension_numbers<[1], [0], [0], [1], [0, 0, 1, 1], [], []>, transpose_lhs_hint = false} : vector<4096x7xf32>, vector<7x64xf32>, vector<4096x64xf32> -> vector<4096x64xf32>
    %add3A_27 = vector.broadcast %broadcast_in_dim3A : vector<1x64xf32> to vector<4096x64xf32>
    %add3A_28 = arith.addf %add3A_27, %dot_general3A_26 : vector<4096x64xf32>
    %mul3A = arith.constant 0.142857149 : f32
    %mul3A_29 = vector.broadcast %mul3A : f32 to vector<4096x64xf32>
    %mul3A_30 = arith.mulf %add3A_28, %mul3A_29 : vector<4096x64xf32>
    %get3A_31 = arith.constant 0 : index
    %get3A_32 = arith.constant 0 : index
    %get3A_33 = vector.load %arg6[%get3A_31, %get3A_32] : memref<128x64xf32, #tpu.memory_space<vmem>>, vector<128x64xf32>
    %slice3A = vector.extract_strided_slice %get3A_33 {offsets = [0, 0], sizes = [64, 64], strides = [1, 1]} : vector<128x64xf32> to vector<64x64xf32>
    %dot_general3A_34 = arith.constant dense<0.000000e+00> : vector<4096x64xf32>
    %dot_general3A_35 = tpu.matmul %mul3A_30, %slice3A, %dot_general3A_34 {dimension_numbers = #tpu.dot_dimension_numbers<[1], [0], [0], [1], [0, 0, 1, 1], [], []>, transpose_lhs_hint = false} : vector<4096x64xf32>, vector<64x64xf32>, vector<4096x64xf32> -> vector<4096x64xf32>
    %slice3A_36 = vector.extract_strided_slice %get3A_33 {offsets = [64, 0], sizes = [64, 64], strides = [1, 1]} : vector<128x64xf32> to vector<64x64xf32>
    %dot_general3A_37 = arith.constant dense<0.000000e+00> : vector<4096x64xf32>
    %dot_general3A_38 = tpu.matmul %max3A_14, %slice3A_36, %dot_general3A_37 {dimension_numbers = #tpu.dot_dimension_numbers<[1], [0], [0], [1], [0, 0, 1, 1], [], []>, transpose_lhs_hint = false} : vector<4096x64xf32>, vector<64x64xf32>, vector<4096x64xf32> -> vector<4096x64xf32>
    %add3A_39 = arith.addf %dot_general3A_35, %dot_general3A_38 : vector<4096x64xf32>
    %get3A_40 = arith.constant 0 : index
    %get3A_41 = arith.constant 0 : index
    %get3A_42 = vector.load %arg7[%get3A_40, %get3A_41] : memref<1x64xf32, #tpu.memory_space<vmem>>, vector<1x64xf32>
    %add3A_43 = vector.broadcast %get3A_42 : vector<1x64xf32> to vector<4096x64xf32>
    %add3A_44 = arith.addf %add3A_39, %add3A_43 : vector<4096x64xf32>
    %max3A_45 = arith.constant 0.000000e+00 : f32
    %max3A_46 = vector.broadcast %max3A_45 : f32 to vector<4096x64xf32>
    %max3A_47 = arith.maximumf %add3A_44, %max3A_46 : vector<4096x64xf32>
    %get3A_48 = arith.constant 0 : index
    %get3A_49 = arith.constant 0 : index
    %get3A_50 = vector.load %arg8[%get3A_48, %get3A_49] : memref<64x2xf32, #tpu.memory_space<vmem>>, vector<64x2xf32>
    %dot_general3A_51 = arith.constant dense<0.000000e+00> : vector<4096x2xf32>
    %dot_general3A_52 = tpu.matmul %max3A_47, %get3A_50, %dot_general3A_51 {dimension_numbers = #tpu.dot_dimension_numbers<[1], [0], [0], [1], [0, 0, 1, 1], [], []>, transpose_lhs_hint = false} : vector<4096x64xf32>, vector<64x2xf32>, vector<4096x2xf32> -> vector<4096x2xf32>
    %get3A_53 = arith.constant 0 : index
    %get3A_54 = arith.constant 0 : index
    %get3A_55 = vector.load %arg9[%get3A_53, %get3A_54] : memref<1x2xf32, #tpu.memory_space<vmem>>, vector<1x2xf32>
    %add3A_56 = vector.broadcast %get3A_55 : vector<1x2xf32> to vector<4096x2xf32>
    %add3A_57 = arith.addf %dot_general3A_52, %add3A_56 : vector<4096x2xf32>
    %max3A_58 = arith.constant 0.000000e+00 : f32
    %max3A_59 = vector.broadcast %max3A_58 : f32 to vector<4096x2xf32>
    %max3A_60 = arith.maximumf %add3A_57, %max3A_59 : vector<4096x2xf32>
    %swap3A = arith.constant 0 : index
    %swap3A_61 = arith.constant 0 : index
    %swap3A_62 = vector.load %arg10[%swap3A, %swap3A_61] : memref<4096x2xf32, #tpu.memory_space<vmem>>, vector<4096x2xf32>
    tpu.vector_store %arg10[%swap3A, %swap3A_61], %max3A_60 {strides = array<i32>} : memref<4096x2xf32, #tpu.memory_space<vmem>>, vector<4096x2xf32>,
    return
  }
}

</mosaic_0001>

<sc_bundles>
// kernel: kernel.4.cloned.1.call-start
scs
__scs_entry_jumppad:
0x0: {  	(pc) =	sbr.rel $0x88, $3  }
0x1: {  	(tag) =	ssettag $0x0;
	lr =	simm.s32 $0x1  }
0x2: {  	[smem:$0x3F92] =	sst lr;
	_ =	strace $0xD0000000  }
0x3: {  	_ = 	snop  }
0x4: {  	_ = 	snop  }
0x5: {  	_ = 	snop  }
0x6: {  	_ = 	snop  }
0x7: {  	_ = 	snop  }
__scs_overlays_trampoline_lowered:
0x8: {  	[smem:$0x3FA1] =	sst s0  }
0x9: {  	[smem:$0x3FA2] =	sst s1  }
0xa: {  	[smem:$0x3FA3] =	sst s2  }
0xb: {  	[smem:$0x3FA4] =	sst s3  }
0xc: {  	[smem:$0x3FA5] =	sst s4  }
0xd: {  	[smem:$0x3FA6] =	sst s5  }
0xe: {  	[smem:$0x3FA7] =	sst s6  }
0xf: {  	[smem:$0x3FA8] =	sst s7  }
0x10: {  	[smem:$0x3FA9] =	sst s8  }
0x11: {  	[smem:$0x3FAA] =	sst s9;
	s0 =	simm.s32 @!p0 $0x0  }
0x12: {  	s1 =	sld [smem:$0x3F90];
	s0 =	simm.s32 @p0 $0x1  }
0x13: {  	[smem:$0x3FAB] =	sst s0;
	s0 =	simm.s32 @!p1 $0x0  }
0x14: {  	s2 =	sld [smem:$0x3F8F];
	s0 =	simm.s32 @p1 $0x1  }
0x15: {  	[smem:$0x3FAC] =	sst s0;
	s0 =	simm.s32 @!p2 $0x0  }
0x16: {  	s3 =	sld [smem:$0x3FDB];
	s0 =	simm.s32 @p2 $0x1  }
0x17: {  	s4 =	simm.s32 $0x1BF5;
	[smem:$0x3FAE] =	sst s0  }
0x18: {  	s0 =	sld [smem:$0x3F91];
	_ =	swait.ge [sflag:s4], $0x0  }
0x19: {  	s7 =	sld [smem:$0x3F92]  }
0x1a: {  	s8 =	sadd.s32 $0xFFFFE003, lr  }
0x1b: {  	s9 =	sadd.s32 $0xFFFFFEF7, lr;
	s5 =	simm.s32 $0xFFFFFFFF;
	p2 =	slt.u32 s8, $0xFFFFF086  }
0x1c: {  	p1 =	slt.u32 s9, $0xF7A;
	s5 =	simm.s32 @!p2 $0x0  }
0x1d: {  	s5 =	simm.s32 @p1 $0x1;
	p0 =	seq.s32 s7, s2  }
0x1e: {  	s7 =	smul.u32 @!p0 $0xF7A, s2;
	p2 =	seq.s32 @!p0 s5, $0x0  }
0x1f: {  	s9 =	smul.u32 $0xF7A, s1;
	s8 =	simm.s32 @!p0 $0x1BF5;
	p2 =	por !p2, p0  }
0x20: {  	[sflag:s8] =	ssyncset.s32 @!p0 $0xFFFFF086;
	s6 =	sadd.s32 @!p0 s3, s7;
	s7 =	simm.s32 @!p0 $0x108  }
0x21: {  	s3 =	sadd.s32 s3, s9;
	s6 =	sadd.s32 @!p0 $0x88, s6;
	s7 =	simm.s32 @p2 $0x1082  }
0x22: {  	[simem:s7], [sflag:s8] =	dma.local @!p0 [hbm:s6], $0xF7A  }
0x23: {  	s9 =	sor.u32 $0xD0000000, s2;
	s6 =	simm.s32 $0x108;
	_ =	swait.ge @!p0 [sflag:s8], $0x0  }
0x24: {  	s3 =	sadd.s32 $0x88, s3;
	s6 =	simm.s32 @!p1 $0x1082;
	[sflag:s4] =	ssyncset.s32 $0xFFFFF086  }
0x25: {  	[simem:s6], [sflag:s4] =	dma.local [hbm:s3], $0xF7A  }
0x26: {  	[smem:$0x3F92] =	sst s1;
	(tag) =	ssettag s2;
	_ =	strace s9  }
0x27: {  	s1 =	sld [smem:$0x3FA2]  }
0x28: {  	s2 =	sld [smem:$0x3FA3]  }
0x29: {  	s4 =	sld [smem:$0x3FA5]  }
0x2a: {  	p0 =	seq.s32 s5, $0x0;
	s5 =	sld [smem:$0x3FA6]  }
0x2b: {  	s6 =	sld [smem:$0x3FA7]  }
0x2c: {  	s7 =	sld [smem:$0x3FA8]  }
0x2d: {  	s3 =	simm.s32 $0x108;
	s8 =	sld [smem:$0x3FA9]  }
0x2e: {  	s3 =	simm.s32 @!p0 $0x1082;
	s9 =	sld [smem:$0x3FAA]  }
0x2f: {  	lr =	sadd.s32 s0, s3;
	s0 =	sld [smem:$0x3FA1]  }
0x30: {  	s3 =	sld [smem:$0x3FA4]  }
0x31: {  	[smem:$0x3FAD] =	sst s10  }
0x32: {  	s10 =	sld [smem:$0x3FAB];
	_ =	sdelay $0x3  }
0x33: {  	p0 =	seq.s32 s10, $0x1;
	s10 =	sld [smem:$0x3FAD];
	_ =	sdelay $0x3  }
0x34: {  	[smem:$0x3FAD] =	sst s10  }
0x35: {  	s10 =	sld [smem:$0x3FAC];
	_ =	sdelay $0x3  }
0x36: {  	p1 =	seq.s32 s10, $0x1;
	s10 =	sld [smem:$0x3FAD];
	_ =	sdelay $0x3  }
0x37: {  	[smem:$0x3FAD] =	sst s10  }
0x38: {  	s10 =	sld [smem:$0x3FAE]  }
0x39: {  	_ = 	snop;
	(pc) =	sbr.ind lr, $3  }
0x3a: {  	_ = 	snop  }
0x3b: {  	_ = 	snop  }
0x3c: {  	p2 =	seq.s32 s10, $0x1;
	s10 =	sld [smem:$0x3FAD]  }
0x3d: {  	_ =	shalt  }
0x3e: {  	_ =	shalt  }
0x3f: {  	_ =	shalt  }
0x40: {  	_ =	shalt  }
0x41: {  	_ =	shalt  }
0x42: {  	_ =	shalt  }
0x43: {  	_ =	shalt  }
0x44: {  	_ =	shalt  }
0x45: {  	_ =	shalt  }
0x46: {  	_ =	shalt  }
0x47: {  	_ =	shalt  }
0x48: {  	_ =	shalt  }
0x49: {  	_ =	shalt  }
0x4a: {  	_ =	shalt  }
0x4b: {  	_ =	shalt  }
0x4c: {  	_ =	shalt  }
0x4d: {  	_ =	shalt  }
0x4e: {  	_ =	shalt  }
0x4f: {  	_ =	shalt  }
0x50: {  	_ =	shalt  }
0x51: {  	_ =	shalt  }
0x52: {  	_ =	shalt  }
0x53: {  	_ =	shalt  }
0x54: {  	_ =	shalt  }
0x55: {  	_ =	shalt  }
0x56: {  	_ =	shalt  }
0x57: {  	_ =	shalt  }
0x58: {  	_ =	shalt  }
0x59: {  	_ =	shalt  }
0x5a: {  	_ =	shalt  }
0x5b: {  	_ =	shalt  }
0x5c: {  	_ =	shalt  }
0x5d: {  	_ =	shalt  }
0x5e: {  	_ =	shalt  }
0x5f: {  	_ =	shalt  }
0x60: {  	_ =	shalt  }
0x61: {  	_ =	shalt  }
0x62: {  	_ =	shalt  }
0x63: {  	_ =	shalt  }
0x64: {  	_ =	shalt  }
0x65: {  	_ =	shalt  }
0x66: {  	_ =	shalt  }
0x67: {  	_ =	shalt  }
0x68: {  	_ =	shalt  }
0x69: {  	_ =	shalt  }
0x6a: {  	_ =	shalt  }
0x6b: {  	_ =	shalt  }
0x6c: {  	_ =	shalt  }
0x6d: {  	_ =	shalt  }
0x6e: {  	_ =	shalt  }
0x6f: {  	_ =	shalt  }
0x70: {  	_ =	shalt  }
0x71: {  	_ =	shalt  }
0x72: {  	_ =	shalt  }
0x73: {  	_ =	shalt  }
0x74: {  	_ =	shalt  }
0x75: {  	_ =	shalt  }
0x76: {  	_ =	shalt  }
0x77: {  	_ =	shalt  }
0x78: {  	_ =	shalt  }
0x79: {  	_ =	shalt  }
0x7a: {  	_ =	shalt  }
0x7b: {  	_ =	shalt  }
0x7c: {  	_ =	shalt  }
0x7d: {  	_ =	shalt  }
0x7e: {  	_ =	shalt  }
0x7f: {  	_ =	shalt  }
0x80: {  	_ =	shalt  }
0x81: {  	_ =	shalt  }
0x82: {  	_ =	shalt  }
0x83: {  	_ =	shalt  }
0x84: {  	_ =	shalt  }
0x85: {  	_ =	shalt  }
0x86: {  	_ =	shalt  }
0x87: {  	_ =	shalt  }
.Lfunc_end0:
.L_simem_size_0:
called_computation_lowered:
.L_overlay_start_0:
0x88: {  	s2 =	sld [smem:$0x3FD9]  }
0x89: {  	s3 =	sld [smem:$0x3FFE];
	_ =	sdelay $0x1  }
0x8a: {  	s1 =	srdreg.scid  }
0x8b: {  	s0 =	sand.u32 $0x1, s1  }
0x8c: {  	s16 =	sshll.u32 s0, $0xA;
	s2 =	sadd.s32 s3, s2  }
0x8d: {  	s2 =	sadd.s32 s2, s16  }
0x8e: {  	[smem:$0x3FB9] =	sst s2  }
0x8f: {  	_ = 	snop  }
0x90: {  	(tm) =	ssettm $0x1  }
0x91: {  	s17 =	sld [smem:$0x3FFB];
	_ =	sdelay $0x3  }
0x92: {  	_ =	strace s17  }
0x93: {  	s2 =	sld [smem:$0x3FFC];
	_ =	sdelay $0x3  }
0x94: {  	_ =	strace s2  }
0x95: {  	s2 =	sld [smem:$0x3FFD];
	_ =	sdelay $0x3  }
0x96: {  	_ =	strace s2  }
0x97: {  	_ =	strace $0x8FFFFFFF  }
0x98: {  	s18 =	sld [smem:$0x3FDB];
	_ =	sdelay $0x1  }
0x99: {  	s19 =	simm.s32 $_scs_section_size  }
0x9a: {  	s4 =	simm.s32 $_size__tile_overlayer_lowered;
	s5 =	simm.s32 $_tile_overlayer_lowered  }
0x9b: {  	s22 =	simm.s32 $0x1BFF;
	s21 =	sshll.u32 s5, $0x1;
	s2 =	sadd.s32 s19, s18  }
0x9c: {  	s6 =	simm.s32 $0x0;
	s20 =	sshll.u32 s4, $0x1;
	s4 =	sadd.s32 s21, s2  }
0x9d: {  	[timem:s6], [sflag:s22] =	dma.local [hbm:s4], s20  }
0x9e: {  	_ =	swait.ge [sflag:s22], s20  }
0x9f: {  	s3 =	ssub.s32 $0x0, s20;
	[sflag:s22] =	ssyncset.done $0x0  }
0xa0: {  	[sflag:s22] =	ssyncadd.s32 s3;
	_ =	sdelay $0x1  }
0xa1: {  	s23 =	simm.s32 $0x1B8B  }
0xa2: {  	_ =	swait.ge [sflag:s23], $0x1  }
0xa3: {  	[sflag:s23] =	ssyncset.done $0x0  }
0xa4: {  	s25 =	simm.s32 $0x1B8E;
	s24 =	sld [smem:$0x3FFE];
	[sflag:s23] =	ssyncadd.s32 $0xFFFFFFFF  }
0xa5: {  	s26 =	simm.s32 $execute0_lowered;
	[smem:$0x3FD2] =	sst s25  }
0xa6: {  	s4 =	sshll.u32 s26, $0x1;
	_ =	strace $0x80000046;
	[dreg:$0x1] =	wrdreg $0xFFFFFFFF  }
0xa7: {  	s28 =	simm.s32 $_size_execute0_lowered;
	s2 =	sadd.s32 s2, s4;
	[dreg:$0x0] =	wrdreg $0x0  }
0xa8: {  	s4 =	sshll.u32 s28, $0x1;
	[dreg:$0x2] =	wrdreg s2  }
0xa9: {  	[dreg:$0x3] =	wrdreg s4  }
0xaa: {  	[dreg:$0x4] =	wrdreg $0xC0  }
0xab: {  	_ =	task [dreg:s6], $0x5FFFF  }
0xac: {  	[dreg:$0x1] =	wrdreg $0xFFFFFFFF  }
0xad: {  	[dreg:$0x0] =	wrdreg $0x60  }
0xae: {  	[dreg:$0x2] =	wrdreg s24  }
0xaf: {  	[dreg:$0x3] =	wrdreg $0x9  }
0xb0: {  	_ =	task.clear_ibuf [dreg:s6], $0x4FFFF;
	_ =	strace $0x90000046  }
0xb1: {  	s29 =	simm.s32 $0x9;
	_ =	strace $0x80000048  }
0xb2: {  	_ =	swait.ge [sflag:s29], $0x1  }
0xb3: {  	[sflag:s29] =	ssyncadd.s32 $0xFFFFFFFF  }
0xb4: {  	_ =	strace $0x90000048  }
0xb5: {  	_ =	sfence  }
0xb6: {  	s30 =	sld [smem:$0x0];
	_ =	sdelay $0x2  }
0xb7: {  	s31 =	sshll.u32 s1, $0xD;
	s1 =	sshrl.u32 s1, $0x2  }
0xb8: {  	s3 =	sand.u32 $0x4000, s31;
	s1 =	sadd.s32 s1, s30  }
0xb9: {  	s0 =	sor.u32 s3, s0;
	s1 =	sshll.u32 s1, $0x11  }
0xba: {  	s0 =	sor.u32 s1, s0  }
0xbb: {  	s0 =	sadd.s32 $0x8F2B, s0  }
0xbc: {  	[sflag:s0] =	ssyncadd.remote.s32 $0x1  }
0xbd: {  	_ =	sfence.sel $0xFFFF  }
0xbe: {  	[dreg:$0x0] =	wrdreg $0xFFFFFFFF;
	(pc) =	sbr.abs _section_cstart, $3  }
0xbf: {  	[dreg:$0x1] =	wrdreg $0xFFFFFFFF  }
0xc0: {  	_ =	task.clear_ibuf [dreg:s6], $0x2FFFF;
	_ =	strace $0x9FFFFFFF  }
0xc1: {  	(tm) =	ssettm $0x7FFFFFFF  }
tec
execute0_lowered:
.L_overlay_start_1:
0x0: {  	(tag) =	ssettag $0x1  }
0x1: {  	s1 =	srdreg.scid  }
0x2: {  	s0 =	stileid.u32;
	s6 =	sand.u32 $0x1, s1  }
0x3: {  	s3 =	rddreg [dreg:$0x0];
	s4 =	sshll.u32 s0, $0xC;
	s5 =	sshll.u32 s6, $0xB  }
0x4: {  	s2 =	simm.s32 $0x0;
	s1 =	rddreg [dreg:$0x1];
	s4 =	sor.u32 s5, s4  }
0x5: {  	[smem:$0x7FF] =	sst s2;
	s8 =	sadd.s32 s4, s3  }
0x6: {  	_ =	strace $0x80000047;
	s3 =	simm.s32 $0x1;
	s4 =	sadd.s32 $0x2600, s8  }
0x7: {  	[tilespmem:s2], [sflag:$0x1] =	stream.linear.gather [hbm4b:s4+s2], $0x4000, $0x38;
	[tilespmem:$0x8000] =	vst v63  }
0x8: {  	_ =	swait.ge [sflag:s3], $0x4000  }
0x9: {  	[sflag:s3] =	ssyncset.done $0x0  }
0xa: {  	s9 =	ssub.s32 $0x2, s6;
	s5 =	sadd.s32 $0x22600, s8;
	[sflag:s3] =	ssyncadd.s32 $0xFFFFC000  }
0xb: {  	[hbm4b:s5+s2] =	stream.linear.scatter [tilespmem:s2], [sflag:$0x1], $0x4000, $0x38;
	[tilespmem:$0x8000] =	vst v63  }
0xc: {  	s10 =	sshrl.u32 s9, $0x1;
	_ =	swait.ge [sflag:s3], $0x4000  }
0xd: {  	s7 =	simm.s32 $0x4000;
	s9 =	ssub.s32 s9, s10;
	[sflag:s3] =	ssyncset.done $0x0  }
0xe: {  	s6 =	sadd.s32 $0x12600, s8;
	s9 =	smax.u32 s9, $0x1;
	[sflag:s3] =	ssyncadd.s32 $0xFFFFC000  }
0xf: {  	[tilespmem:s7], [sflag:$0x1] =	stream.linear.gather [hbm4b:s6+s2], $0x4000, $0x38;
	[tilespmem:$0x8000] =	vst v63  }
0x10: {  	p0 =	sne.s32 s9, $0x1;
	_ =	swait.ge [sflag:s3], $0x4000  }
.Ltmp0:
0x11: {  	[sflag:s3] =	ssyncset.done $0x0;
	(pc) =	sbr.rel @!p0 .LBB2_2-.Ltmp0, $4  }
0x12: {  	s8 =	sadd.s32 $0x32600, s8;
	[sflag:s3] =	ssyncadd.s32 $0xFFFFC000  }
0x13: {  	[hbm4b:s8+s2] =	stream.linear.scatter [tilespmem:s7], [sflag:$0x1], $0x4000, $0x38;
	[tilespmem:$0x8000] =	vst v63  }
0x14: {  	_ =	swait.ge [sflag:s3], $0x4000  }
0x15: {  	s9 =	sadd.s32 $0xFFFFFFFF, s9;
	[sflag:s3] =	ssyncset.done $0x0  }
.LBB2_1:
0x16: {  	p0 =	sne.s32 s9, $0x1;
	s9 =	sadd.s32 $0xFFFFFFFF, s9;
	[sflag:s3] =	ssyncadd.s32 $0xFFFFC000  }
0x17: {  	[tilespmem:s2], [sflag:$0x1] =	stream.linear.gather [hbm4b:s4+s2], $0x4000, $0x38;
	[tilespmem:$0x8000] =	vst v63  }
0x18: {  	_ =	swait.ge [sflag:s3], $0x4000  }
0x19: {  	[sflag:s3] =	ssyncset.done $0x0  }
0x1a: {  	[sflag:s3] =	ssyncadd.s32 $0xFFFFC000  }
0x1b: {  	[hbm4b:s5+s2] =	stream.linear.scatter [tilespmem:s2], [sflag:$0x1], $0x4000, $0x38;
	[tilespmem:$0x8000] =	vst v63  }
0x1c: {  	_ =	swait.ge [sflag:s3], $0x4000  }
0x1d: {  	[sflag:s3] =	ssyncset.done $0x0  }
0x1e: {  	[sflag:s3] =	ssyncadd.s32 $0xFFFFC000  }
0x1f: {  	[tilespmem:s7], [sflag:$0x1] =	stream.linear.gather [hbm4b:s6+s2], $0x4000, $0x38;
	[tilespmem:$0x8000] =	vst v63  }
0x20: {  	_ =	swait.ge [sflag:s3], $0x4000  }
.Ltmp1:
0x21: {  	[sflag:s3] =	ssyncset.done $0x0;
	(pc) =	sbr.rel @p0 .LBB2_1-.Ltmp1, $4  }
0x22: {  	[sflag:s3] =	ssyncadd.s32 $0xFFFFC000  }
0x23: {  	[hbm4b:s8+s2] =	stream.linear.scatter [tilespmem:s7], [sflag:$0x1], $0x4000, $0x38;
	[tilespmem:$0x8000] =	vst v63  }
0x24: {  	_ =	swait.ge [sflag:s3], $0x4000  }
0x25: {  	[sflag:s3] =	ssyncset.done $0x0  }
.LBB2_2:
0x26: {  	[sflag:s3] =	ssyncadd.s32 $0xFFFFC000  }
0x27: {  	_ =	sfence.sel $0x180000  }
0x28: {  	[bflag:$0x0] =	sbarrier.arrive $0xFFFF  }
0x29: {  	p0 =	sne.s32 s0, $0x0;
	_ =	strace $0x90000047  }
0x2a: {  	s0 =	sadd.s32 @!p0 $0x100000, s1;
	[bflag:$0x2] =	sbarrier.arrive $0xFFFF  }
0x2b: {  	[sflag:s0] =	ssyncadd.tile.s32 @!p0 $0x1;
	_ =	shalt  }
.Lfunc_end2:
_tile_overlayer_lowered:
.L_overlay_start_2:
0x2c: {  	(tag) =	ssettag $0x2  }
0x2d: {  	s0 =	rddreg [dreg:$0x0];
	s2 =	stileid.u32  }
0x2e: {  	s1 =	rddreg [dreg:$0x1];
	p0 =	sne.s32 s2, $0x0  }
0x2f: {  	s3 =	rddreg [dreg:$0x2];
	[bflag:$0x3] =	sbarrier.arrive $0xFFFF;
	s2 =	simm.s32 @!p0 $0x1C01  }
0x30: {  	[timem:s3], [sflag:s2] =	dma.local @!p0 [hbm:s0], s1  }
0x31: {  	s0 =	simm.s32 @!p0 $0x1  }
0x32: {  	_ =	swait.ge @!p0 [sflag:s0], s1  }
0x33: {  	s1 =	ssub.s32 @!p0 $0x0, s1;
	[sflag:s0] =	ssyncset.done @!p0 $0x0  }
0x34: {  	[sflag:s0] =	ssyncadd.s32 @!p0 s1  }
0x35: {  	[bflag:$0x3] =	sbarrier.arrive $0xFFFF  }
0x36: {  	_ =	shalt  }

</sc_bundles>
